<compile_context>
chip_gen: v7x
topology: tpu7x:2x2x1
jax: 0.10.2.dev20260603
libtpu: 0.0.44.dev20260713+nightly
codegen_flags: <defaults>
</compile_context>

<pallas_src>
import functools

import jax
import jax.numpy as jnp
from jax import lax
from jax.experimental import pallas as pl
from jax.experimental.pallas import tpu as pltpu
from jax.experimental.pallas import tpu_sc as plsc

_T = 2048
_S = 2048
_E = 16
_FLAT = (_T + _S - 1) * _E
_ROW = _S * _E

_NC = 2
_NS = 16
_NW = _NC * _NS
_ROWS_PER_W = _T // _NW

_mesh = plsc.VectorSubcoreMesh(core_axis_name="c", subcore_axis_name="s")


@functools.partial(
    pl.kernel,
    mesh=_mesh,
    out_type=jax.ShapeDtypeStruct((_T * _ROW,), jnp.float32),
    scratch_types=[pltpu.VMEM((_FLAT,), jnp.float32)],
)
def _sc_window_copy(table_hbm, out_hbm, table_v):
    wid = lax.axis_index("s") * _NC + lax.axis_index("c")
    pltpu.sync_copy(table_hbm, table_v)
    base = wid * _ROWS_PER_W

    def body(r, carry):
        i = base + r
        src = (_T - 1 - i) * _E
        pltpu.sync_copy(
            table_v.at[pl.ds(src, _ROW)],
            out_hbm.at[pl.ds(i * _ROW, _ROW)],
        )
        return carry

    lax.fori_loop(0, _ROWS_PER_W, body, 0)


def kernel(table):
    flat = table.reshape(-1)
    out = _sc_window_copy(flat)
    return out.reshape(_T, _S, _E)

# --- scband reference (transcript-rebuilt; emitter-appended) ---
"""Pipeline reference for scband-relative-positional-embedding-46780783788071 (READ-ONLY COPY).

The authoritative reference and input builder live on the scoring server;
editing this copy changes nothing except your own understanding.
"""

import jax, jax.numpy as jnp
import numpy as np

T = 2048
S = 2048
E = 16

def setup_inputs(seed: int = 0) -> dict:
    key = jax.random.key(seed)
    table = jax.random.normal(key, (T + S - 1, E), dtype=jnp.float32)
    return {"table": table}

def reference(table):
    q = jnp.arange(T)
    s = jnp.arange(S)
    raw = s[None, :] - q[:, None]
    pos = raw - jnp.min(raw)
    return jnp.take(table, pos, axis=0)

if __name__ == "__main__":
    import jax
    _d = setup_inputs()
    print(jax.jit(kernel)(*tuple(_d.values())))

</pallas_src>

<mosaic_0001>
#map = affine_map<(d0, d1) -> (0)>
module attributes {stable_mosaic.version = 14 : i64} {
  func.func @_sc_window_copy(%arg0: i32, %arg1: i32, %arg2: memref<65520xf32, #tpu.memory_space<hbm>>, %arg3: memref<67108864xf32, #tpu.memory_space<hbm>>, %arg4: memref<65520xf32, #tpu.memory_space<vmem>>) attributes {dimension_semantics = [#tpu.dimension_semantics<core_parallel>, #tpu.dimension_semantics<subcore_parallel>], iteration_bounds = array<i64: 2, 16>, scalar_prefetch = 0 : i64, scratch_operands = 1 : i64, tpu.core_type = #tpu.core_type<sc_vector_subcore>, window_params = [{transform_indices = #map}, {transform_indices = #map}]} {
    %mul3A = arith.constant 2 : i32
    %mul3A_0 = arith.muli %arg1, %mul3A : i32
    %add3A = arith.addi %mul3A_0, %arg0 : i32
    "tpu.region"() ({
      %run_scoped3A = tpu.sem_alloc : memref<!tpu.dma_semaphore, #tpu.memory_space<semaphore_mem>>
      tpu.enqueue_dma source(%arg2 : memref<65520xf32, #tpu.memory_space<hbm>>) target(%arg4 : memref<65520xf32, #tpu.memory_space<vmem>>) target_semaphore(%run_scoped3A : memref<!tpu.dma_semaphore, #tpu.memory_space<semaphore_mem>>)
      tpu.wait_dma2 semaphore(%run_scoped3A : memref<!tpu.dma_semaphore, #tpu.memory_space<semaphore_mem>>) src(%arg2 : memref<65520xf32, #tpu.memory_space<hbm>>) dst(%arg4 : memref<65520xf32, #tpu.memory_space<vmem>>)
      tpu.yield
    }) : () -> ()
    %mul3A_1 = arith.constant 64 : i32
    %mul3A_2 = arith.muli %add3A, %mul3A_1 : i32
    %scan3A = arith.constant 0 : i32
    %scan3A_3 = arith.constant 0 : i32
    %scan3A_4 = arith.constant 64 : i32
    %scan3A_5 = arith.addi %scan3A_3, %scan3A_4 : i32
    %scan3A_6 = arith.constant 1 : i32
    scf.for %scan3A_8 = %scan3A_3 to %scan3A_5 step %scan3A_6  : i32 {
      %add3A_9 = arith.addi %mul3A_2, %scan3A_8 : i32
      %sub3A = arith.constant 2047 : i32
      %sub3A_10 = arith.subi %sub3A, %add3A_9 : i32
      %mul3A_11 = arith.constant 16 : i32
      %mul3A_12 = arith.muli %sub3A_10, %mul3A_11 : i32
      %mul3A_13 = arith.constant 32768 : i32
      %mul3A_14 = arith.muli %add3A_9, %mul3A_13 : i32
      "tpu.region"() ({
        %run_scoped3A = tpu.sem_alloc : memref<!tpu.dma_semaphore, #tpu.memory_space<semaphore_mem>>
        %dma_start3A = tpu.memref_slice %arg4[%mul3A_12] : memref<65520xf32, #tpu.memory_space<vmem>> -> memref<32768xf32, #tpu.memory_space<vmem>>
        %dma_start3A_15 = tpu.memref_slice %arg3[%mul3A_14] : memref<67108864xf32, #tpu.memory_space<hbm>> -> memref<32768xf32, #tpu.memory_space<hbm>>
        %dma_start3A_16 = tpu.memref_slice %arg3[%mul3A_14] : memref<67108864xf32, #tpu.memory_space<hbm>> -> memref<32768xf32, #tpu.memory_space<hbm>>
        %dma_start3A_17 = tpu.memref_slice %arg4[%mul3A_12] : memref<65520xf32, #tpu.memory_space<vmem>> -> memref<32768xf32, #tpu.memory_space<vmem>>
        tpu.enqueue_dma source(%dma_start3A_17 : memref<32768xf32, #tpu.memory_space<vmem>>) target(%dma_start3A_16 : memref<32768xf32, #tpu.memory_space<hbm>>) target_semaphore(%run_scoped3A : memref<!tpu.dma_semaphore, #tpu.memory_space<semaphore_mem>>)
        %dma_wait3A = tpu.memref_slice %arg4[%mul3A_12] : memref<65520xf32, #tpu.memory_space<vmem>> -> memref<32768xf32, #tpu.memory_space<vmem>>
        %dma_wait3A_18 = tpu.memref_slice %arg3[%mul3A_14] : memref<67108864xf32, #tpu.memory_space<hbm>> -> memref<32768xf32, #tpu.memory_space<hbm>>
        %dma_wait3A_19 = tpu.memref_slice %arg3[%mul3A_14] : memref<67108864xf32, #tpu.memory_space<hbm>> -> memref<32768xf32, #tpu.memory_space<hbm>>
        %dma_wait3A_20 = tpu.memref_slice %arg4[%mul3A_12] : memref<65520xf32, #tpu.memory_space<vmem>> -> memref<32768xf32, #tpu.memory_space<vmem>>
        tpu.wait_dma2 semaphore(%run_scoped3A : memref<!tpu.dma_semaphore, #tpu.memory_space<semaphore_mem>>) src(%dma_wait3A_20 : memref<32768xf32, #tpu.memory_space<vmem>>) dst(%dma_wait3A_19 : memref<32768xf32, #tpu.memory_space<hbm>>)
        tpu.yield
      }) : () -> ()
    }
    %scan3A_7 = arith.constant 64 : i32
    return
  }
}

</mosaic_0001>

<sc_bundles>
// kernel: kernel.3.cloned.1.call-start
scs
__scs_entry_jumppad:
0x0: {  	(pc) =	sbr.rel $0x88, $3  }
0x1: {  	(tag) =	ssettag $0x0;
	lr =	simm.s32 $0x1  }
0x2: {  	[smem:$0x3FA0] =	sst lr;
	_ =	strace $0xD0000000  }
0x3: {  	_ = 	snop  }
0x4: {  	_ = 	snop  }
0x5: {  	_ = 	snop  }
0x6: {  	_ = 	snop  }
0x7: {  	_ = 	snop  }
__scs_overlays_trampoline_lowered:
0x8: {  	[smem:$0x3FAF] =	sst s0  }
0x9: {  	[smem:$0x3FB0] =	sst s1  }
0xa: {  	[smem:$0x3FB1] =	sst s2  }
0xb: {  	[smem:$0x3FB2] =	sst s3  }
0xc: {  	[smem:$0x3FB3] =	sst s4  }
0xd: {  	[smem:$0x3FB4] =	sst s5  }
0xe: {  	[smem:$0x3FB5] =	sst s6  }
0xf: {  	[smem:$0x3FB6] =	sst s7  }
0x10: {  	[smem:$0x3FB7] =	sst s8  }
0x11: {  	[smem:$0x3FB8] =	sst s9;
	s0 =	simm.s32 @!p0 $0x0  }
0x12: {  	s1 =	sld [smem:$0x3F9E];
	s0 =	simm.s32 @p0 $0x1  }
0x13: {  	[smem:$0x3FB9] =	sst s0;
	s0 =	simm.s32 @!p1 $0x0  }
0x14: {  	s2 =	sld [smem:$0x3F9D];
	s0 =	simm.s32 @p1 $0x1  }
0x15: {  	[smem:$0x3FBA] =	sst s0;
	s0 =	simm.s32 @!p2 $0x0  }
0x16: {  	s3 =	sld [smem:$0x3FDB];
	s0 =	simm.s32 @p2 $0x1  }
0x17: {  	s4 =	simm.s32 $0x1BF5;
	[smem:$0x3FBC] =	sst s0  }
0x18: {  	s0 =	sld [smem:$0x3F9F];
	_ =	swait.ge [sflag:s4], $0x0  }
0x19: {  	s7 =	sld [smem:$0x3FA0]  }
0x1a: {  	s8 =	sadd.s32 $0xFFFFE003, lr  }
0x1b: {  	s9 =	sadd.s32 $0xFFFFFEF7, lr;
	s5 =	simm.s32 $0xFFFFFFFF;
	p2 =	slt.u32 s8, $0xFFFFF086  }
0x1c: {  	p1 =	slt.u32 s9, $0xF7A;
	s5 =	simm.s32 @!p2 $0x0  }
0x1d: {  	s5 =	simm.s32 @p1 $0x1;
	p0 =	seq.s32 s7, s2  }
0x1e: {  	s7 =	smul.u32 @!p0 $0xF7A, s2;
	p2 =	seq.s32 @!p0 s5, $0x0  }
0x1f: {  	s9 =	smul.u32 $0xF7A, s1;
	s8 =	simm.s32 @!p0 $0x1BF5;
	p2 =	por !p2, p0  }
0x20: {  	[sflag:s8] =	ssyncset.s32 @!p0 $0xFFFFF086;
	s6 =	sadd.s32 @!p0 s3, s7;
	s7 =	simm.s32 @!p0 $0x108  }
0x21: {  	s3 =	sadd.s32 s3, s9;
	s6 =	sadd.s32 @!p0 $0x88, s6;
	s7 =	simm.s32 @p2 $0x1082  }
0x22: {  	[simem:s7], [sflag:s8] =	dma.local @!p0 [hbm:s6], $0xF7A  }
0x23: {  	s9 =	sor.u32 $0xD0000000, s2;
	s6 =	simm.s32 $0x108;
	_ =	swait.ge @!p0 [sflag:s8], $0x0  }
0x24: {  	s3 =	sadd.s32 $0x88, s3;
	s6 =	simm.s32 @!p1 $0x1082;
	[sflag:s4] =	ssyncset.s32 $0xFFFFF086  }
0x25: {  	[simem:s6], [sflag:s4] =	dma.local [hbm:s3], $0xF7A  }
0x26: {  	[smem:$0x3FA0] =	sst s1;
	(tag) =	ssettag s2;
	_ =	strace s9  }
0x27: {  	s1 =	sld [smem:$0x3FB0]  }
0x28: {  	s2 =	sld [smem:$0x3FB1]  }
0x29: {  	s4 =	sld [smem:$0x3FB3]  }
0x2a: {  	p0 =	seq.s32 s5, $0x0;
	s5 =	sld [smem:$0x3FB4]  }
0x2b: {  	s6 =	sld [smem:$0x3FB5]  }
0x2c: {  	s7 =	sld [smem:$0x3FB6]  }
0x2d: {  	s3 =	simm.s32 $0x108;
	s8 =	sld [smem:$0x3FB7]  }
0x2e: {  	s3 =	simm.s32 @!p0 $0x1082;
	s9 =	sld [smem:$0x3FB8]  }
0x2f: {  	lr =	sadd.s32 s0, s3;
	s0 =	sld [smem:$0x3FAF]  }
0x30: {  	s3 =	sld [smem:$0x3FB2]  }
0x31: {  	[smem:$0x3FBB] =	sst s10  }
0x32: {  	s10 =	sld [smem:$0x3FB9];
	_ =	sdelay $0x3  }
0x33: {  	p0 =	seq.s32 s10, $0x1;
	s10 =	sld [smem:$0x3FBB];
	_ =	sdelay $0x3  }
0x34: {  	[smem:$0x3FBB] =	sst s10  }
0x35: {  	s10 =	sld [smem:$0x3FBA];
	_ =	sdelay $0x3  }
0x36: {  	p1 =	seq.s32 s10, $0x1;
	s10 =	sld [smem:$0x3FBB];
	_ =	sdelay $0x3  }
0x37: {  	[smem:$0x3FBB] =	sst s10  }
0x38: {  	s10 =	sld [smem:$0x3FBC]  }
0x39: {  	_ = 	snop;
	(pc) =	sbr.ind lr, $3  }
0x3a: {  	_ = 	snop  }
0x3b: {  	_ = 	snop  }
0x3c: {  	p2 =	seq.s32 s10, $0x1;
	s10 =	sld [smem:$0x3FBB]  }
0x3d: {  	_ =	shalt  }
0x3e: {  	_ =	shalt  }
0x3f: {  	_ =	shalt  }
0x40: {  	_ =	shalt  }
0x41: {  	_ =	shalt  }
0x42: {  	_ =	shalt  }
0x43: {  	_ =	shalt  }
0x44: {  	_ =	shalt  }
0x45: {  	_ =	shalt  }
0x46: {  	_ =	shalt  }
0x47: {  	_ =	shalt  }
0x48: {  	_ =	shalt  }
0x49: {  	_ =	shalt  }
0x4a: {  	_ =	shalt  }
0x4b: {  	_ =	shalt  }
0x4c: {  	_ =	shalt  }
0x4d: {  	_ =	shalt  }
0x4e: {  	_ =	shalt  }
0x4f: {  	_ =	shalt  }
0x50: {  	_ =	shalt  }
0x51: {  	_ =	shalt  }
0x52: {  	_ =	shalt  }
0x53: {  	_ =	shalt  }
0x54: {  	_ =	shalt  }
0x55: {  	_ =	shalt  }
0x56: {  	_ =	shalt  }
0x57: {  	_ =	shalt  }
0x58: {  	_ =	shalt  }
0x59: {  	_ =	shalt  }
0x5a: {  	_ =	shalt  }
0x5b: {  	_ =	shalt  }
0x5c: {  	_ =	shalt  }
0x5d: {  	_ =	shalt  }
0x5e: {  	_ =	shalt  }
0x5f: {  	_ =	shalt  }
0x60: {  	_ =	shalt  }
0x61: {  	_ =	shalt  }
0x62: {  	_ =	shalt  }
0x63: {  	_ =	shalt  }
0x64: {  	_ =	shalt  }
0x65: {  	_ =	shalt  }
0x66: {  	_ =	shalt  }
0x67: {  	_ =	shalt  }
0x68: {  	_ =	shalt  }
0x69: {  	_ =	shalt  }
0x6a: {  	_ =	shalt  }
0x6b: {  	_ =	shalt  }
0x6c: {  	_ =	shalt  }
0x6d: {  	_ =	shalt  }
0x6e: {  	_ =	shalt  }
0x6f: {  	_ =	shalt  }
0x70: {  	_ =	shalt  }
0x71: {  	_ =	shalt  }
0x72: {  	_ =	shalt  }
0x73: {  	_ =	shalt  }
0x74: {  	_ =	shalt  }
0x75: {  	_ =	shalt  }
0x76: {  	_ =	shalt  }
0x77: {  	_ =	shalt  }
0x78: {  	_ =	shalt  }
0x79: {  	_ =	shalt  }
0x7a: {  	_ =	shalt  }
0x7b: {  	_ =	shalt  }
0x7c: {  	_ =	shalt  }
0x7d: {  	_ =	shalt  }
0x7e: {  	_ =	shalt  }
0x7f: {  	_ =	shalt  }
0x80: {  	_ =	shalt  }
0x81: {  	_ =	shalt  }
0x82: {  	_ =	shalt  }
0x83: {  	_ =	shalt  }
0x84: {  	_ =	shalt  }
0x85: {  	_ =	shalt  }
0x86: {  	_ =	shalt  }
0x87: {  	_ =	shalt  }
.Lfunc_end0:
.L_simem_size_0:
called_computation.1_lowered:
.L_overlay_start_0:
0x88: {  	s2 =	sld [smem:$0x3FD9]  }
0x89: {  	s3 =	sld [smem:$0x3FFE];
	_ =	sdelay $0x1  }
0x8a: {  	s1 =	srdreg.scid  }
0x8b: {  	s0 =	sand.u32 $0x1, s1  }
0x8c: {  	s17 =	sshll.u32 s0, $0xA;
	s2 =	sadd.s32 s3, s2  }
0x8d: {  	s2 =	sadd.s32 s2, s17  }
0x8e: {  	[smem:$0x3FC7] =	sst s2  }
0x8f: {  	_ = 	snop  }
0x90: {  	s2 =	sld [smem:$0x3FD0];
	(tm) =	ssettm $0x1  }
0x91: {  	s18 =	sld [smem:$0x3FFB];
	_ =	sdelay $0x3  }
0x92: {  	_ =	strace s18  }
0x93: {  	s3 =	sld [smem:$0x3FFC];
	_ =	sdelay $0x3  }
0x94: {  	_ =	strace s3  }
0x95: {  	s3 =	sld [smem:$0x3FFD];
	_ =	sdelay $0x3  }
0x96: {  	_ =	strace s3  }
0x97: {  	_ =	strace $0x8FFFFFFF  }
0x98: {  	s19 =	sld [smem:$0x3FDB];
	_ =	sdelay $0x1  }
0x99: {  	s4 =	simm.s32 $_scs_section_size  }
0x9a: {  	s5 =	simm.s32 $_size__tile_overlayer_lowered;
	s6 =	simm.s32 $_tile_overlayer_lowered  }
0x9b: {  	s22 =	simm.s32 $0x1BFF;
	s21 =	sshll.u32 s6, $0x1;
	s3 =	sadd.s32 s4, s19  }
0x9c: {  	s7 =	simm.s32 $0x0;
	s20 =	sshll.u32 s5, $0x1;
	s5 =	sadd.s32 s21, s3  }
0x9d: {  	[timem:s7], [sflag:s22] =	dma.local [hbm:s5], s20  }
0x9e: {  	_ =	swait.ge [sflag:s22], s20  }
0x9f: {  	s4 =	ssub.s32 $0x0, s20;
	[sflag:s22] =	ssyncset.done $0x0  }
0xa0: {  	[sflag:s22] =	ssyncadd.s32 s4;
	_ =	sdelay $0x1  }
0xa1: {  	s23 =	simm.s32 $0x1B8B  }
0xa2: {  	_ =	swait.ge [sflag:s23], $0x1  }
0xa3: {  	[sflag:s23] =	ssyncset.done $0x0  }
0xa4: {  	s25 =	simm.s32 $0x1B8E;
	s24 =	sld [smem:$0x3FFE];
	[sflag:s23] =	ssyncadd.s32 $0xFFFFFFFF  }
0xa5: {  	s26 =	simm.s32 $execute0_lowered;
	[smem:$0x3FD2] =	sst s25  }
0xa6: {  	s5 =	sshll.u32 s26, $0x1;
	_ =	strace $0x80000046;
	[dreg:$0x1] =	wrdreg $0xFFFFFFFF  }
0xa7: {  	s28 =	simm.s32 $_size_execute0_lowered;
	s3 =	sadd.s32 s3, s5;
	[dreg:$0x0] =	wrdreg $0x0  }
0xa8: {  	s5 =	sshll.u32 s28, $0x1;
	[dreg:$0x2] =	wrdreg s3  }
0xa9: {  	[dreg:$0x3] =	wrdreg s5  }
0xaa: {  	[dreg:$0x4] =	wrdreg $0xC0  }
0xab: {  	_ =	task [dreg:s7], $0x5FFFF  }
0xac: {  	[dreg:$0x1] =	wrdreg $0xFFFFFFFF  }
0xad: {  	[dreg:$0x0] =	wrdreg $0x60  }
0xae: {  	[dreg:$0x2] =	wrdreg s24  }
0xaf: {  	[dreg:$0x3] =	wrdreg s2  }
0xb0: {  	[dreg:$0x4] =	wrdreg $0x9  }
0xb1: {  	_ =	task.clear_ibuf [dreg:s7], $0x5FFFF;
	_ =	strace $0x90000046  }
0xb2: {  	s29 =	simm.s32 $0x9;
	_ =	strace $0x80000048  }
0xb3: {  	_ =	swait.ge [sflag:s29], $0x1  }
0xb4: {  	[sflag:s29] =	ssyncadd.s32 $0xFFFFFFFF  }
0xb5: {  	_ =	strace $0x90000048  }
0xb6: {  	_ =	sfence  }
0xb7: {  	s30 =	sld [smem:$0x0];
	_ =	sdelay $0x2  }
0xb8: {  	s31 =	sshll.u32 s1, $0xD;
	s1 =	sshrl.u32 s1, $0x2  }
0xb9: {  	s3 =	sand.u32 $0x4000, s31;
	s1 =	sadd.s32 s1, s30  }
0xba: {  	s0 =	sor.u32 s3, s0;
	s1 =	sshll.u32 s1, $0x11  }
0xbb: {  	s0 =	sor.u32 s1, s0  }
0xbc: {  	s0 =	sadd.s32 $0x8F2B, s0  }
0xbd: {  	[sflag:s0] =	ssyncadd.remote.s32 $0x1  }
0xbe: {  	_ =	sfence.sel $0xFFFF  }
0xbf: {  	[dreg:$0x0] =	wrdreg $0xFFFFFFFF;
	(pc) =	sbr.abs _section_cstart, $3  }
0xc0: {  	[dreg:$0x1] =	wrdreg $0xFFFFFFFF  }
0xc1: {  	_ =	task.clear_ibuf [dreg:s7], $0x2FFFF;
	_ =	strace $0x9FFFFFFF  }
0xc2: {  	(tm) =	ssettm $0x7FFFFFFF  }
0xc3: {  	_ =	shalt  }
tec
execute0_lowered:
.L_overlay_start_1:
0x0: {  	(tag) =	ssettag $0x1  }
0x1: {  	s3 =	rddreg [dreg:$0x0]  }
0x2: {  	s0 =	srdreg.scid;
	s4 =	rddreg [dreg:$0x1];
	s2 =	simm.s32 $0x0  }
0x3: {  	s1 =	stileid.u32;
	s5 =	sand.u32 $0x1, s0;
	s0 =	rddreg [dreg:$0x2]  }
0x4: {  	[smem:$0x7FF] =	sst s2;
	s29 =	sshll.u32 s1, $0x13;
	s8 =	sshll.u32 s1, $0xD  }
0x5: {  	s3 =	sadd.s32 $0x800, s3;
	s6 =	ssub.s32 $0x2, s5;
	_ =	strace $0x80000047  }
0x6: {  	s30 =	sshll.u32 s5, $0xC;
	s5 =	sshll.u32 s5, $0x12;
	s7 =	sshrl.u32 s6, $0x1  }
0x7: {  	s8 =	sor.u32 s8, s30;
	s6 =	ssub.s32 s6, s7;
	s7 =	sadd.s32 s29, s4  }
0x8: {  	s31 =	sxor.u32 $0x1FFC0, s8;
	s8 =	simm.s32 $0x0;
	s4 =	smax.u32 s6, $0x1  }
0x9: {  	s5 =	sadd.s32 s5, s7;
	s6 =	sshrl.u32 s31, $0x2;
	s7 =	simm.s32 $0x1  }
.LBB2_1:
0xa: {  	[tilespmem:s2], [sflag:$0x1] =	stream.linear.gather [hbm4b:s3+s2], $0x10000, $0x38;
	[tilespmem:$0x10000] =	vst v63  }
0xb: {  	_ =	swait.ge [sflag:s7], $0x10000  }
0xc: {  	[sflag:s7] =	ssyncset.done $0x0  }
0xd: {  	s9 =	sadd.s32 $0x0, s6;
	[sflag:s7] =	ssyncadd.s32 $0xFFFF0000  }
0xe: {  	[hbm4b:s5+s2] =	stream.linear.scatter [tilespmem:s9], [sflag:$0x1], $0x8000, $0x38;
	[tilespmem:$0x10000] =	vst v63  }
0xf: {  	s10 =	smov.u32 s5;
	s9 =	simm.s32 $0xFFFFFFC0;
	_ =	swait.ge [sflag:s7], $0x8000  }
.LBB2_2:
0x10: {  	s11 =	sshra.s32 s9, $0x2  }
0x11: {  	[sflag:s7] =	ssyncset.done $0x0;
	s10 =	sadd.s32 $0x1000, s10;
	p0 =	sne.s32 s9, $0xFFFFF040  }
.Ltmp0:
0x12: {  	s11 =	sadd.s32 s11, s6;
	[sflag:s7] =	ssyncadd.s32 $0xFFFF8000;
	(pc) =	sbr.rel @p0 .LBB2_2-.Ltmp0, $3  }
0x13: {  	[hbm4b:s10+s2] =	stream.linear.scatter [tilespmem:s11], [sflag:$0x1], $0x8000, $0x38;
	[tilespmem:$0x10000] =	vst v63  }
0x14: {  	s9 =	sadd.s32 $0xFFFFFFC0, s9;
	_ =	sdelay $0x1  }
0x15: {  	_ =	swait.ge [sflag:s7], $0x8000  }
0x16: {  	s8 =	sadd.s32 $0x1, s8  }
0x17: {  	p0 =	sne.s32 s8, s4  }
.Ltmp1:
0x18: {  	_ = 	snop;
	(pc) =	sbr.rel @p0 .LBB2_1-.Ltmp1, $3  }
0x19: {  	_ =	sdelay $0x1  }
0x1a: {  	[sflag:s7] =	ssyncset.done $0x0  }
0x1b: {  	[sflag:s7] =	ssyncadd.s32 $0xFFFF8000  }
0x1c: {  	_ =	sfence.sel $0x180000  }
0x1d: {  	[bflag:$0x0] =	sbarrier.arrive $0xFFFF  }
0x1e: {  	p0 =	sne.s32 s1, $0x0;
	_ =	strace $0x90000047  }
0x1f: {  	s0 =	sadd.s32 @!p0 $0x100000, s0;
	[bflag:$0x2] =	sbarrier.arrive $0xFFFF  }
0x20: {  	[sflag:s0] =	ssyncadd.tile.s32 @!p0 $0x1;
	_ =	shalt  }
.Lfunc_end2:
_tile_overlayer_lowered:
.L_overlay_start_2:
0x21: {  	(tag) =	ssettag $0x2  }
0x22: {  	s0 =	rddreg [dreg:$0x0];
	s2 =	stileid.u32  }
0x23: {  	s1 =	rddreg [dreg:$0x1];
	p0 =	sne.s32 s2, $0x0  }
0x24: {  	s3 =	rddreg [dreg:$0x2];
	[bflag:$0x3] =	sbarrier.arrive $0xFFFF;
	s2 =	simm.s32 @!p0 $0x1C01  }
0x25: {  	[timem:s3], [sflag:s2] =	dma.local @!p0 [hbm:s0], s1  }
0x26: {  	s0 =	simm.s32 @!p0 $0x1  }
0x27: {  	_ =	swait.ge @!p0 [sflag:s0], s1  }
0x28: {  	s1 =	ssub.s32 @!p0 $0x0, s1;
	[sflag:s0] =	ssyncset.done @!p0 $0x0  }
0x29: {  	[sflag:s0] =	ssyncadd.s32 @!p0 s1  }
0x2a: {  	[bflag:$0x3] =	sbarrier.arrive $0xFFFF  }
0x2b: {  	_ =	shalt  }

// kernel: sparse-core-data-format-call.cloned.1.call-start
scs
called_computation_lowered:
.L_overlay_start_0:
0x0: {  	s2 =	sld [smem:$0x3FD9]  }
0x1: {  	s3 =	sld [smem:$0x3FFE];
	_ =	sdelay $0x1  }
0x2: {  	s1 =	srdreg.scid  }
0x3: {  	s0 =	sand.u32 $0x1, s1  }
0x4: {  	s18 =	sshll.u32 s0, $0xA;
	s2 =	sadd.s32 s3, s2  }
0x5: {  	s2 =	sadd.s32 s2, s18  }
0x6: {  	[smem:$0x3FC7] =	sst s2  }
0x7: {  	_ = 	snop  }
0x8: {  	s2 =	sld [smem:$0x3FD0];
	(tm) =	ssettm $0x1  }
0x9: {  	s19 =	sld [smem:$0x3FFB];
	_ =	sdelay $0x3  }
0xa: {  	_ =	strace s19  }
0xb: {  	s3 =	sld [smem:$0x3FFC];
	_ =	sdelay $0x3  }
0xc: {  	_ =	strace s3  }
0xd: {  	s3 =	sld [smem:$0x3FFD];
	_ =	sdelay $0x3  }
0xe: {  	_ =	strace s3  }
0xf: {  	_ =	strace $0x8FFFFFFF  }
0x10: {  	s20 =	sld [smem:$0x3FDB];
	_ =	sdelay $0x1  }
0x11: {  	s4 =	simm.s32 $_scs_section_size  }
0x12: {  	s5 =	simm.s32 $_size__tile_overlayer_lowered;
	s6 =	simm.s32 $_tile_overlayer_lowered  }
0x13: {  	s23 =	simm.s32 $0x1BFF;
	s22 =	sshll.u32 s6, $0x1;
	s3 =	sadd.s32 s4, s20  }
0x14: {  	s7 =	simm.s32 $0x0;
	s21 =	sshll.u32 s5, $0x1;
	s5 =	sadd.s32 s22, s3  }
0x15: {  	[timem:s7], [sflag:s23] =	dma.local [hbm:s5], s21  }
0x16: {  	_ =	swait.ge [sflag:s23], s21  }
0x17: {  	s4 =	ssub.s32 $0x0, s21;
	[sflag:s23] =	ssyncset.done $0x0  }
0x18: {  	[sflag:s23] =	ssyncadd.s32 s4;
	_ =	sdelay $0x1  }
0x19: {  	s24 =	simm.s32 $0x1B8B  }
0x1a: {  	_ =	swait.ge [sflag:s24], $0x1  }
0x1b: {  	[sflag:s24] =	ssyncset.done $0x0  }
0x1c: {  	s26 =	simm.s32 $0x1B8E;
	s25 =	sld [smem:$0x3FFE];
	[sflag:s24] =	ssyncadd.s32 $0xFFFFFFFF  }
0x1d: {  	s27 =	simm.s32 $execute0_lowered;
	[smem:$0x3FD2] =	sst s26  }
0x1e: {  	s5 =	sshll.u32 s27, $0x1;
	_ =	strace $0x80000049;
	[dreg:$0x1] =	wrdreg $0xFFFFFFFF  }
0x1f: {  	s28 =	simm.s32 $_size_execute0_lowered;
	s3 =	sadd.s32 s3, s5;
	[dreg:$0x0] =	wrdreg $0x0  }
0x20: {  	s5 =	sshll.u32 s28, $0x1;
	[dreg:$0x2] =	wrdreg s3  }
0x21: {  	[dreg:$0x3] =	wrdreg s5  }
0x22: {  	[dreg:$0x4] =	wrdreg $0xC0  }
0x23: {  	_ =	task [dreg:s7], $0x5FFFF  }
0x24: {  	[dreg:$0x1] =	wrdreg $0xFFFFFFFF  }
0x25: {  	[dreg:$0x0] =	wrdreg $0x60  }
0x26: {  	[dreg:$0x2] =	wrdreg s25  }
0x27: {  	[dreg:$0x3] =	wrdreg s2  }
0x28: {  	[dreg:$0x4] =	wrdreg $0x9  }
0x29: {  	_ =	task.clear_ibuf [dreg:s7], $0x5FFFF;
	_ =	strace $0x90000049  }
0x2a: {  	s29 =	simm.s32 $0x9;
	_ =	strace $0x8000004B  }
0x2b: {  	_ =	swait.ge [sflag:s29], $0x1  }
0x2c: {  	[sflag:s29] =	ssyncadd.s32 $0xFFFFFFFF  }
0x2d: {  	_ =	strace $0x9000004B  }
0x2e: {  	_ =	sfence  }
0x2f: {  	s30 =	sld [smem:$0x0];
	_ =	sdelay $0x2  }
0x30: {  	s31 =	sshll.u32 s1, $0xD;
	s1 =	sshrl.u32 s1, $0x2  }
0x31: {  	s3 =	sand.u32 $0x4000, s31;
	s1 =	sadd.s32 s1, s30  }
0x32: {  	s0 =	sor.u32 s3, s0;
	s1 =	sshll.u32 s1, $0x11  }
0x33: {  	s0 =	sor.u32 s1, s0  }
0x34: {  	s0 =	sadd.s32 $0x8F2B, s0  }
0x35: {  	[sflag:s0] =	ssyncadd.remote.s32 $0x1  }
0x36: {  	_ =	sfence.sel $0xFFFF  }
0x37: {  	[dreg:$0x0] =	wrdreg $0xFFFFFFFF;
	(pc) =	sbr.abs _section_cstart, $3  }
0x38: {  	[dreg:$0x1] =	wrdreg $0xFFFFFFFF  }
0x39: {  	_ =	task.clear_ibuf [dreg:s7], $0x2FFFF;
	_ =	strace $0x9FFFFFFF  }
0x3a: {  	(tm) =	ssettm $0x7FFFFFFF  }
0x3b: {  	_ =	shalt  }
tec
execute0_lowered:
.L_overlay_start_1:
0x0: {  	(tag) =	ssettag $0x1  }
0x1: {  	s13 =	rddreg [dreg:$0x0]  }
0x2: {  	s0 =	srdreg.scid;
	s2 =	rddreg [dreg:$0x1]  }
0x3: {  	s4 =	simm.s32 $0x1;
	s7 =	simm.s32 $0x2;
	s19 =	simm.s32 $0x0  }
0x4: {  	s15 =	simm.s32 $0x4000;
	s20 =	simm.s32 $0x0;
	s1 =	sshll.u32 s0, $0x4  }
0x5: {  	s16 =	simm.s32 $0x0;
	s0 =	stileid.u32;
	s1 =	sand.u32 $0x10, s1  }
0x6: {  	s18 =	simm.s32 $0x0;
	s9 =	sadd.s32 $0x18800, s13;
	s1 =	sor.u32 s0, s1  }
0x7: {  	s10 =	sadd.s32 $0x20800, s13;
	s11 =	sadd.s32 $0x28800, s13;
	s3 =	sshll.u32 s1, $0x3  }
0x8: {  	s1 =	rddreg [dreg:$0x2];
	_ =	strace $0x8000004A;
	s5 =	ssub.s32 $0x800, s3  }
0x9: {  	s12 =	sadd.s32 $0x30800, s13;
	[sflag:s4] =	ssyncpa.u1 $0x0;
	s6 =	sand.u32 $0xF8, s5  }
.Ltmp0:
0xa: {  	p0 =	sne.s32 s6, $0x0;
	s6 =	simm.s32 $0x1;
	(pc) =	sbr.rel .LBB1_1-.Ltmp0, $4  }
0xb: {  	s17 =	smov.u32 s3;
	s8 =	sshrl.u32 s5, $0x8;
	s6 =	simm.s32 @!p0 $0x0  }
0xc: {  	s5 =	sadd.s32 $0x800, s13;
	[sflag:s7] =	ssyncpa.u1 $0x0;
	s6 =	sadd.s32 s6, s8  }
0xd: {  	s7 =	sadd.s32 $0x8800, s13;
	p0 =	por $0x0, $0x0;
	s6 =	sshll.u32 s6, $0x4  }
0xe: {  	s8 =	sadd.s32 $0x10800, s13;
	s13 =	sadd.s32 $0x38800, s13;
	s14 =	sor.u32 $0x1, s6  }
.LBB1_7:
0xf: {  	s21 =	sadd.s32 $0x80, s16  }
0x10: {  	s19 =	sadd.s32 $0x100, s17;
	s23 =	smov.u32 s17;
	p2 =	sgt.s32 s21, $0x7FF  }
0x11: {  	s23 =	smov.u32 @p2 s19  }
0x12: {  	s21 =	simm.s32 @p2 $0x0;
	p2 =	sgt.s32 s23, $0x7FF  }
0x13: {  	s23 =	smov.u32 @p2 s3;
	p2 =	sne.s32 s18, s14  }
.Ltmp1:
0x14: {  	p1 =	slt.u32 s18, $0x2;
	(pc) =	sbr.rel @!p2 .LBB1_8-.Ltmp1, $4  }
0x15: {  	s22 =	simm.s32 @!p1 $0x2  }
0x16: {  	s20 =	smov.u32 s17;
	p0 =	por !p0, !p0;
	_ =	swait.ge @!p1 [sflag:s22], $0x4000  }
0x17: {  	s19 =	smov.u32 s16;
	[sflag:s22] =	ssyncset.done @!p1 $0x0;
	s16 =	smov.u32 s21  }
0x18: {  	s18 =	sadd.s32 $0x1, s18;
	[sflag:s22] =	ssyncadd.s32 @!p1 $0xFFFFC000;
	s17 =	smov.u32 s23  }
.LBB1_1:
0x19: {  	p1 =	sge.u32 s18, s6  }
0x1a: {  	s21 =	sxor.u32 @!p1 $0xFFFFFFFF, s18  }
0x1b: {  	s22 =	sshll.u32 @!p1 s17, $0xF;
	s23 =	sshll.u32 @!p1 s16, $0x4;
	s25 =	simm.s32 @!p1 $0x10  }
0x1c: {  	s21 =	sshll.u32 @!p1 s21, $0xE;
	s23 =	sand.u32 @!p1 $0x7FF0, s23;
	s24 =	sadd.s32 @!p1 s5, s22  }
0x1d: {  	s26 =	simm.s32 @!p1 $0x80;
	s21 =	sand.u32 @!p1 $0x4000, s21;
	s24 =	sadd.s32 @!p1 s23, s24  }
0x1e: {  	[tilespmem:s21], [sflag:$0x1] =	stream.strided.gather @!p1 [hbm4b:s24+s25], $0x800, s26, s25, $0x38;
	[tilespmem:$0x10100] =	vst v63  }
0x1f: {  	s24 =	sadd.s32 @!p1 s22, s7  }
0x20: {  	s27 =	sor.u32 @!p1 $0x800, s21;
	s24 =	sadd.s32 @!p1 s23, s24  }
0x21: {  	[tilespmem:s27], [sflag:$0x1] =	stream.strided.gather @!p1 [hbm4b:s24+s25], $0x800, s26, s25, $0x38;
	[tilespmem:$0x10100] =	vst v63  }
0x22: {  	s24 =	sadd.s32 @!p1 s22, s8  }
0x23: {  	s27 =	sor.u32 @!p1 $0x1000, s21;
	s24 =	sadd.s32 @!p1 s23, s24  }
0x24: {  	[tilespmem:s27], [sflag:$0x1] =	stream.strided.gather @!p1 [hbm4b:s24+s25], $0x800, s26, s25, $0x38;
	[tilespmem:$0x10100] =	vst v63  }
0x25: {  	s24 =	sadd.s32 @!p1 s22, s9  }
0x26: {  	s27 =	sor.u32 @!p1 $0x1800, s21;
	s24 =	sadd.s32 @!p1 s23, s24  }
0x27: {  	[tilespmem:s27], [sflag:$0x1] =	stream.strided.gather @!p1 [hbm4b:s24+s25], $0x800, s26, s25, $0x38;
	[tilespmem:$0x10100] =	vst v63  }
0x28: {  	s24 =	sadd.s32 @!p1 s22, s10  }
0x29: {  	s27 =	sor.u32 @!p1 $0x2000, s21;
	s24 =	sadd.s32 @!p1 s23, s24  }
0x2a: {  	[tilespmem:s27], [sflag:$0x1] =	stream.strided.gather @!p1 [hbm4b:s24+s25], $0x800, s26, s25, $0x38;
	[tilespmem:$0x10100] =	vst v63  }
0x2b: {  	s24 =	sadd.s32 @!p1 s22, s11  }
0x2c: {  	s27 =	sor.u32 @!p1 $0x2800, s21;
	s24 =	sadd.s32 @!p1 s23, s24  }
0x2d: {  	[tilespmem:s27], [sflag:$0x1] =	stream.strided.gather @!p1 [hbm4b:s24+s25], $0x800, s26, s25, $0x38;
	[tilespmem:$0x10100] =	vst v63  }
0x2e: {  	s24 =	sadd.s32 @!p1 s22, s12  }
0x2f: {  	s27 =	sor.u32 @!p1 $0x3000, s21;
	s22 =	sadd.s32 @!p1 s22, s13;
	s24 =	sadd.s32 @!p1 s23, s24  }
0x30: {  	[tilespmem:s27], [sflag:$0x1] =	stream.strided.gather @!p1 [hbm4b:s24+s25], $0x800, s26, s25, $0x38;
	[tilespmem:$0x10100] =	vst v63  }
0x31: {  	s31 =	sadd.s32 $0xFFFFFFFF, s18;
	s21 =	sor.u32 @!p1 $0x3800, s21;
	s22 =	sadd.s32 @!p1 s23, s22  }
0x32: {  	[tilespmem:s21], [sflag:$0x1] =	stream.strided.gather @!p1 [hbm4b:s22+s25], $0x800, s26, s25, $0x38;
	[tilespmem:$0x10100] =	vst v63  }
0x33: {  	p1 =	sge.u32 s31, s6  }
.Ltmp2:
0x34: {  	_ = 	snop;
	(pc) =	sbr.rel @p1 .LBB1_7-.Ltmp2, $1  }
0x35: {  	_ =	sdelay $0x3  }
0x36: {  	s21 =	simm.s32 $0x1;
	s23 =	sand.u32 $0x1, s18  }
0x37: {  	_ =	swait.ge [sflag:s4], $0x4000;
	s21 =	simm.s32 @!p0 $0x0;
	s24 =	smul.u32 $0x10200, s23  }
0x38: {  	[sflag:s4] =	ssyncset.done $0x0;
	s22 =	smul.u32 $0x10200, s21  }
0x39: {  	s21 =	sshll.u32 s21, $0xE;
	[sflag:s4] =	ssyncadd.s32 $0xFFFFC000  }
0x3a: {  	s23 =	sor.u32 $0x40, s21;
	s31 =	sshrl.u32 s24, $0x2;
	s22 =	sshrl.u32 s22, $0x2  }
0x3b: {  	s24 =	simm.s32 $0x0;
	s21 =	sor.u32 $0x8000, s31;
	s22 =	sor.u32 $0x8007, s22  }
.LBB1_3:
0x3c: {  	v3 =	vld [tilespmem:s23+$0x30]  }
0x3d: {  	v4 =	vld [tilespmem:s23+$0xFFFFFFD0]  }
0x3e: {  	v5 =	vld [tilespmem:s23+$0xFFFFFFE0]  }
0x3f: {  	v1 =	vld [tilespmem:s23+$0xFFFFFFF0]  }
0x40: {  	v0 =	vld [tilespmem:s23+$0x0]  }
0x41: {  	v2 =	vld [tilespmem:s23+$0x10];
	[tilespmem:s22+$0x0 ss:$0x81] =	vst.msk $0xffff, v3  }
0x42: {  	[tilespmem:s22+$0xFFFFFFFA ss:$0x81] =	vst.msk $0xffff, v4;
	v4 =	vld [tilespmem:s23+$0x20]  }
0x43: {  	s26 =	simm.s32 $0x0;
	s27 =	sadd.s32 $0x80, s23;
	s25 =	smov.u32 s22;
	v3 =	vld [tilespmem:s23+$0xFFFFFFC0];
	[tilespmem:s22+$0xFFFFFFFB ss:$0x81] =	vst.msk $0xffff, v5  }
.LBB1_4:
0x44: {  	v5 =	vld [tilespmem:s27+$0x30];
	s26 =	sadd.s32 $0x8, s26;
	[tilespmem:s25+$0xFFFFFFFC ss:$0x81] =	vst.msk $0xffff, v1  }
0x45: {  	v6 =	vld [tilespmem:s27+$0xFFFFFFD0];
	p1 =	slt.u32 s26, $0x78;
	[tilespmem:s25+$0xFFFFFFFD ss:$0x81] =	vst.msk $0xffff, v0  }
0x46: {  	v7 =	vld [tilespmem:s27+$0xFFFFFFE0];
	[tilespmem:s25+$0xFFFFFFFE ss:$0x81] =	vst.msk $0xffff, v2  }
.Ltmp3:
0x47: {  	v1 =	vld [tilespmem:s27+$0xFFFFFFF0];
	[tilespmem:s25+$0xFFFFFFFF ss:$0x81] =	vst.msk $0xffff, v4;
	(pc) =	sbr.rel @p1 .LBB1_4-.Ltmp3, $4  }
0x48: {  	v0 =	vld [tilespmem:s27+$0x0];
	[tilespmem:s25+$0xFFFFFFF9 ss:$0x81] =	vst.msk $0xffff, v3;
	s25 =	sadd.s32 $0x8, s25  }
0x49: {  	v2 =	vld [tilespmem:s27+$0x10];
	[tilespmem:s25+$0x0 ss:$0x81] =	vst.msk $0xffff, v5  }
0x4a: {  	[tilespmem:s25+$0xFFFFFFFA ss:$0x81] =	vst.msk $0xffff, v6;
	v4 =	vld [tilespmem:s27+$0x20]  }
0x4b: {  	v3 =	vld [tilespmem:s27+$0xFFFFFFC0];
	[tilespmem:s25+$0xFFFFFFFB ss:$0x81] =	vst.msk $0xffff, v7;
	s27 =	sadd.s32 $0x80, s27  }
0x4c: {  	s24 =	sadd.s32 $0x1, s24  }
0x4d: {  	p1 =	sne.s32 s24, $0x8  }
.Ltmp4:
0x4e: {  	[tilespmem:s25+$0xFFFFFFFC ss:$0x81] =	vst.msk $0xffff, v1;
	(pc) =	sbr.rel @p1 .LBB1_3-.Ltmp4, $4  }
0x4f: {  	[tilespmem:s25+$0xFFFFFFFD ss:$0x81] =	vst.msk $0xffff, v0  }
0x50: {  	[tilespmem:s25+$0xFFFFFFFE ss:$0x81] =	vst.msk $0xffff, v2  }
0x51: {  	[tilespmem:s25+$0xFFFFFFFF ss:$0x81] =	vst.msk $0xffff, v4  }
0x52: {  	s22 =	sadd.s32 $0x810, s22;
	s23 =	sadd.s32 $0x800, s23;
	[tilespmem:s25+$0xFFFFFFF9 ss:$0x81] =	vst.msk $0xffff, v3  }
0x53: {  	s22 =	sshll.u32 s19, $0x3;
	s23 =	sand.u32 $0x78, s19;
	s20 =	sshll.u32 s20, $0xC  }
.Ltmp5:
0x54: {  	s30 =	sand.u32 $0xF00, s19;
	s22 =	sand.u32 $0x400, s22;
	(pc) =	sbr.rel .LBB1_7-.Ltmp5, $4  }
0x55: {  	s31 =	sand.u32 $0x7, s19;
	s20 =	sadd.s32 s2, s20;
	s22 =	sor.u32 s23, s22  }
0x56: {  	s19 =	sshll.u32 s31, $0x12;
	s20 =	sadd.s32 s30, s20;
	s22 =	sshrl.u32 s22, $0x3  }
0x57: {  	s19 =	sor.u32 $0x400, s19;
	s20 =	sadd.s32 s22, s20  }
0x58: {  	[hbm4b:s20+s19] =	stream.strided.scatter [tilespmem:s21], [sflag:$0x2], $0x4000, s15, s19, $0x20;
	[tilespmem:$0x10100] =	vst v63  }
.LBB1_8:
0x59: {  	_ =	sfence.sel $0x180000  }
0x5a: {  	s2 =	simm.s32 $0x1;
	[bflag:$0x0] =	sbarrier.arrive $0xFFFF  }
0x5b: {  	s31 =	simm.s32 $0x2;
	[sflag:s2] =	ssyncpa.u1 $0x1  }
0x5c: {  	[sflag:s31] =	ssyncpa.u1 $0x1  }
0x5d: {  	p0 =	sne.s32 s0, $0x0;
	_ =	strace $0x9000004A  }
0x5e: {  	s0 =	sadd.s32 @!p0 $0x100000, s1;
	[bflag:$0x2] =	sbarrier.arrive $0xFFFF  }
0x5f: {  	[sflag:s0] =	ssyncadd.tile.s32 @!p0 $0x1;
	_ =	shalt  }
.Lfunc_end1:
_tile_overlayer_lowered:
.L_overlay_start_2:
0x60: {  	(tag) =	ssettag $0x2  }
0x61: {  	s0 =	rddreg [dreg:$0x0];
	s2 =	stileid.u32  }
0x62: {  	s1 =	rddreg [dreg:$0x1];
	p0 =	sne.s32 s2, $0x0  }
0x63: {  	s3 =	rddreg [dreg:$0x2];
	[bflag:$0x3] =	sbarrier.arrive $0xFFFF;
	s2 =	simm.s32 @!p0 $0x1C01  }
0x64: {  	[timem:s3], [sflag:s2] =	dma.local @!p0 [hbm:s0], s1  }
0x65: {  	s0 =	simm.s32 @!p0 $0x1  }
0x66: {  	_ =	swait.ge @!p0 [sflag:s0], s1  }
0x67: {  	s1 =	ssub.s32 @!p0 $0x0, s1;
	[sflag:s0] =	ssyncset.done @!p0 $0x0  }
0x68: {  	[sflag:s0] =	ssyncadd.s32 @!p0 s1  }
0x69: {  	[bflag:$0x3] =	sbarrier.arrive $0xFFFF  }
0x6a: {  	_ =	shalt  }

</sc_bundles>
